<compile_context>
chip_gen: v7x
topology: tpu7x:2x2x1
jax: 0.10.2.dev20260603
libtpu: 0.0.44.dev20260713+nightly
codegen_flags: <defaults>
</compile_context>

<pallas_src>
import functools

import jax
import jax.numpy as jnp
from jax import lax
from jax.experimental import pallas as pl
from jax.experimental.pallas import tpu as pltpu
from jax.experimental.pallas import tpu_sc as plsc

B, L = 4096, 200
N = B * L
D = 128
R = 12
NROWS = R * R * R * R
NC, NS = 2, 16
NW = NC * NS
PER_W = N // NW
CHUNK = 128
NCH = PER_W // CHUNK

IDX_COLS = 1024
IDX_ROWS = N // IDX_COLS


def _prep_body(tr, yr, mo, dy, hr, w, b, idx_out, p4_out):
    y = jnp.clip(tr[0], 0, R - 1)
    m = jnp.clip(tr[1], 0, R - 1)
    d = jnp.clip(tr[2], 0, R - 1)
    h = jnp.clip(tr[3], 0, R - 1)
    idx_out[...] = ((y * R + m) * R + d) * R + h

    dot = functools.partial(
        jnp.dot, precision=lax.Precision.HIGHEST, preferred_element_type=jnp.float32
    )
    py = dot(yr[0:R, :], w[0:16, :])
    pm = dot(mo[0:R, :], w[16:32, :])
    pd = dot(dy[0:R, :], w[32:48, :])
    ph = dot(hr[0:R, :], w[48:64, :])
    a = (py[:, None, :] + pm[None, :, :]).reshape(R * R, D)
    c = (pd[:, None, :] + ph[None, :, :]).reshape(R * R, D) + b[0:1, :]
    p4_out[...] = (a[:, None, :] + c[None, :, :]).reshape(NROWS, D)


def _sc_gather(p4, idx):
    mesh = plsc.VectorSubcoreMesh(core_axis_name="c", subcore_axis_name="s")

    @functools.partial(
        pl.kernel,
        out_type=jax.ShapeDtypeStruct((N, D), jnp.float32),
        mesh=mesh,
        scratch_types=(
            [pltpu.VMEM((NCH, CHUNK), jnp.int32)]
            + [pltpu.VMEM((CHUNK, D), jnp.float32)] * 4
            + [pltpu.SemaphoreType.DMA] * 8
        ),
    )
    def run(p4_hbm, idx_hbm, out_hbm, idx_v, *s):
        wid = lax.axis_index("s") * NC + lax.axis_index("c")
        base = wid * PER_W
        rows = s[0:4]
        gsem = s[4:8]
        wsem = s[8:12]

        pltpu.sync_copy(idx_hbm.at[pl.ds(wid * NCH, NCH)], idx_v)

        def g_start(i, bf):
            pltpu.async_copy(p4_hbm.at[idx_v.at[i]], rows[bf], gsem[bf])

        def g_wait(i, bf):
            pltpu.make_async_copy(p4_hbm.at[idx_v.at[i]], rows[bf], gsem[bf]).wait()

        def w_start(i, bf):
            pltpu.async_copy(rows[bf], out_hbm.at[pl.ds(base + i * CHUNK, CHUNK)], wsem[bf])

        def w_wait(i, bf):
            pltpu.make_async_copy(
                rows[bf], out_hbm.at[pl.ds(base + i * CHUNK, CHUNK)], wsem[bf]
            ).wait()

        NB = 4
        for b in range(NB):
            g_start(b, b)

        @pl.loop(0, NCH // NB - 1)
        def _(p):
            i0 = NB * p
            for b in range(NB):
                g_wait(i0 + b, b)
                w_start(i0 + b, b)
            for b in range(NB):
                w_wait(i0 + b, b)
                g_start(i0 + NB + b, b)

        i0 = NCH - NB
        for b in range(NB):
            g_wait(i0 + b, b)
            w_start(i0 + b, b)
        for b in range(NB):
            w_wait(i0 + b, b)

    return run(p4, idx)


def kernel(time_raw, year_emb, month_emb, day_emb, hour_emb, W, b):
    tr3 = time_raw.reshape(N, 4).astype(jnp.int32).T.reshape(4, IDX_ROWS, IDX_COLS)
    idx, p4 = pl.pallas_call(
        _prep_body,
        out_shape=(
            jax.ShapeDtypeStruct((IDX_ROWS, IDX_COLS), jnp.int32),
            jax.ShapeDtypeStruct((NROWS, D), jnp.float32),
        ),
    )(tr3, year_emb, month_emb, day_emb, hour_emb, W, b.reshape(1, D))

    out = _sc_gather(p4, idx.reshape(N // CHUNK, CHUNK))
    return out.reshape(B, L, D)

# --- scband reference (transcript-rebuilt; emitter-appended) ---
"""Pipeline reference for scband-calendar-time-embedding-75084618269424 (READ-ONLY COPY).

The authoritative reference and input builder live on the scoring server;
editing this copy changes nothing except your own understanding.
"""

import jax, jax.numpy as jnp
import numpy as np

NUM_YEARS = 100
YEAR_DIM = MONTH_DIM = DAY_DIM = HOUR_DIM = 16
OUT_DIM = YEAR_DIM + MONTH_DIM + DAY_DIM + HOUR_DIM
D_MODEL = 128
B, L = 4096, 200


def setup_inputs(seed: int = 0) -> dict:
    key = jax.random.key(seed)
    ks = jax.random.split(key, 8)
    time_raw = jax.random.randint(ks[0], (B, L, 4), 0, 12)
    year_emb = jax.random.normal(ks[1], (NUM_YEARS, YEAR_DIM), dtype=jnp.float32) * 0.02
    month_emb = jax.random.normal(ks[2], (12, MONTH_DIM), dtype=jnp.float32) * 0.02
    day_emb = jax.random.normal(ks[3], (31, DAY_DIM), dtype=jnp.float32) * 0.02
    hour_emb = jax.random.normal(ks[4], (24, HOUR_DIM), dtype=jnp.float32) * 0.02
    W = jax.random.normal(ks[5], (OUT_DIM, D_MODEL), dtype=jnp.float32) * (1.0 / np.sqrt(OUT_DIM))
    b = jnp.zeros((D_MODEL,), dtype=jnp.float32)
    return {"time_raw": time_raw, "year_emb": year_emb, "month_emb": month_emb,
            "day_emb": day_emb, "hour_emb": hour_emb, "W": W, "b": b}


def reference(time_raw, year_emb, month_emb, day_emb, hour_emb, W, b):
    # name_to_pos: year_id=0, month_id=1, day_id=2, hour_id=3
    year_id = jnp.clip(time_raw[..., 0].astype(jnp.int32), 0, year_emb.shape[0] - 1)
    month_id = jnp.clip(time_raw[..., 1].astype(jnp.int32), 0, 11)
    day_id = jnp.clip(time_raw[..., 2].astype(jnp.int32), 0, 30)
    hour_id = jnp.clip(time_raw[..., 3].astype(jnp.int32), 0, 23)
    e = jnp.concatenate([
        jnp.take(year_emb, year_id, axis=0),
        jnp.take(month_emb, month_id, axis=0),
        jnp.take(day_emb, day_id, axis=0),
        jnp.take(hour_emb, hour_id, axis=0),
    ], axis=-1)
    return e @ W + b

if __name__ == "__main__":
    import jax
    _d = setup_inputs()
    print(jax.jit(kernel)(*tuple(_d.values())))

</pallas_src>

<mosaic_0001>
#map = affine_map<(d0, d1) -> (0, 0)>
module attributes {stable_mosaic.version = 14 : i64} {
  func.func @run(%arg0: i32, %arg1: i32, %arg2: memref<20736x128xf32, #tpu.memory_space<hbm>>, %arg3: memref<6400x128xi32, #tpu.memory_space<hbm>>, %arg4: memref<819200x128xf32, #tpu.memory_space<hbm>>, %arg5: memref<200x128xi32, #tpu.memory_space<vmem>>, %arg6: memref<128x128xf32, #tpu.memory_space<vmem>>, %arg7: memref<128x128xf32, #tpu.memory_space<vmem>>, %arg8: memref<128x128xf32, #tpu.memory_space<vmem>>, %arg9: memref<128x128xf32, #tpu.memory_space<vmem>>, %arg10: memref<!tpu.dma_semaphore, #tpu.memory_space<semaphore_mem>>, %arg11: memref<!tpu.dma_semaphore, #tpu.memory_space<semaphore_mem>>, %arg12: memref<!tpu.dma_semaphore, #tpu.memory_space<semaphore_mem>>, %arg13: memref<!tpu.dma_semaphore, #tpu.memory_space<semaphore_mem>>, %arg14: memref<!tpu.dma_semaphore, #tpu.memory_space<semaphore_mem>>, %arg15: memref<!tpu.dma_semaphore, #tpu.memory_space<semaphore_mem>>, %arg16: memref<!tpu.dma_semaphore, #tpu.memory_space<semaphore_mem>>, %arg17: memref<!tpu.dma_semaphore, #tpu.memory_space<semaphore_mem>>) attributes {dimension_semantics = [#tpu.dimension_semantics<core_parallel>, #tpu.dimension_semantics<subcore_parallel>], iteration_bounds = array<i64: 2, 16>, scalar_prefetch = 0 : i64, scratch_operands = 13 : i64, tpu.core_type = #tpu.core_type<sc_vector_subcore>, window_params = [{transform_indices = #map}, {transform_indices = #map}, {transform_indices = #map}]} {
    %mul3A = arith.constant 2 : i32
    %mul3A_0 = arith.muli %arg1, %mul3A : i32
    %add3A = arith.addi %mul3A_0, %arg0 : i32
    %mul3A_1 = arith.constant 25600 : i32
    %mul3A_2 = arith.muli %add3A, %mul3A_1 : i32
    %mul3A_3 = arith.constant 200 : i32
    %mul3A_4 = arith.muli %add3A, %mul3A_3 : i32
    "tpu.region"() ({
      %run_scoped3A = tpu.sem_alloc : memref<!tpu.dma_semaphore, #tpu.memory_space<semaphore_mem>>
      %dma_start3A_111 = arith.constant 0 : i32
      %dma_start3A_112 = tpu.memref_slice %arg3[%mul3A_4, %dma_start3A_111] : memref<6400x128xi32, #tpu.memory_space<hbm>> -> memref<200x128xi32, #tpu.memory_space<hbm>>
      %dma_start3A_113 = arith.constant 0 : i32
      %dma_start3A_114 = tpu.memref_slice %arg3[%mul3A_4, %dma_start3A_113] : memref<6400x128xi32, #tpu.memory_space<hbm>> -> memref<200x128xi32, #tpu.memory_space<hbm>>
      tpu.enqueue_dma source(%dma_start3A_114 : memref<200x128xi32, #tpu.memory_space<hbm>>) target(%arg5 : memref<200x128xi32, #tpu.memory_space<vmem>>) target_semaphore(%run_scoped3A : memref<!tpu.dma_semaphore, #tpu.memory_space<semaphore_mem>>)
      %dma_wait3A_115 = arith.constant 0 : i32
      %dma_wait3A_116 = tpu.memref_slice %arg3[%mul3A_4, %dma_wait3A_115] : memref<6400x128xi32, #tpu.memory_space<hbm>> -> memref<200x128xi32, #tpu.memory_space<hbm>>
      %dma_wait3A_117 = arith.constant 0 : i32
      %dma_wait3A_118 = tpu.memref_slice %arg3[%mul3A_4, %dma_wait3A_117] : memref<6400x128xi32, #tpu.memory_space<hbm>> -> memref<200x128xi32, #tpu.memory_space<hbm>>
      tpu.wait_dma2 semaphore(%run_scoped3A : memref<!tpu.dma_semaphore, #tpu.memory_space<semaphore_mem>>) src(%dma_wait3A_118 : memref<200x128xi32, #tpu.memory_space<hbm>>) dst(%arg5 : memref<200x128xi32, #tpu.memory_space<vmem>>)
      tpu.yield
    }) : () -> ()
    %dma_start3A = arith.constant 0 : i32
    %dma_start3A_5 = arith.constant 0 : i32
    %dma_start3A_6 = tpu.memref_slice %arg5[%dma_start3A, %dma_start3A_5] : memref<200x128xi32, #tpu.memory_space<vmem>> -> memref<1x128xi32, #tpu.memory_space<vmem>>
    %dma_start3A_7 = tpu.memref_squeeze %dma_start3A_6 : memref<1x128xi32, #tpu.memory_space<vmem>> -> memref<128xi32, #tpu.memory_space<vmem>>
    %dma_start3A_8 = arith.constant 0 : i32
    %dma_start3A_9 = arith.constant 0 : i32
    %dma_start3A_10 = tpu.memref_slice %arg2[%dma_start3A_8, %dma_start3A_9] : memref<20736x128xf32, #tpu.memory_space<hbm>> -> memref<20736x128xf32, #tpu.memory_space<hbm>>
    tpu.enqueue_indirect_dma source(%dma_start3A_10 : memref<20736x128xf32, #tpu.memory_space<hbm>>) target(%arg6 : memref<128x128xf32, #tpu.memory_space<vmem>>) offsets(%dma_start3A_7 : memref<128xi32, #tpu.memory_space<vmem>>) semaphore(%arg10 : memref<!tpu.dma_semaphore, #tpu.memory_space<semaphore_mem>>)
    %dma_start3A_11 = arith.constant 1 : i32
    %dma_start3A_12 = arith.constant 0 : i32
    %dma_start3A_13 = tpu.memref_slice %arg5[%dma_start3A_11, %dma_start3A_12] : memref<200x128xi32, #tpu.memory_space<vmem>> -> memref<1x128xi32, #tpu.memory_space<vmem>>
    %dma_start3A_14 = tpu.memref_squeeze %dma_start3A_13 : memref<1x128xi32, #tpu.memory_space<vmem>> -> memref<128xi32, #tpu.memory_space<vmem>>
    %dma_start3A_15 = arith.constant 0 : i32
    %dma_start3A_16 = arith.constant 0 : i32
    %dma_start3A_17 = tpu.memref_slice %arg2[%dma_start3A_15, %dma_start3A_16] : memref<20736x128xf32, #tpu.memory_space<hbm>> -> memref<20736x128xf32, #tpu.memory_space<hbm>>
    tpu.enqueue_indirect_dma source(%dma_start3A_17 : memref<20736x128xf32, #tpu.memory_space<hbm>>) target(%arg7 : memref<128x128xf32, #tpu.memory_space<vmem>>) offsets(%dma_start3A_14 : memref<128xi32, #tpu.memory_space<vmem>>) semaphore(%arg11 : memref<!tpu.dma_semaphore, #tpu.memory_space<semaphore_mem>>)
    %dma_start3A_18 = arith.constant 2 : i32
    %dma_start3A_19 = arith.constant 0 : i32
    %dma_start3A_20 = tpu.memref_slice %arg5[%dma_start3A_18, %dma_start3A_19] : memref<200x128xi32, #tpu.memory_space<vmem>> -> memref<1x128xi32, #tpu.memory_space<vmem>>
    %dma_start3A_21 = tpu.memref_squeeze %dma_start3A_20 : memref<1x128xi32, #tpu.memory_space<vmem>> -> memref<128xi32, #tpu.memory_space<vmem>>
    %dma_start3A_22 = arith.constant 0 : i32
    %dma_start3A_23 = arith.constant 0 : i32
    %dma_start3A_24 = tpu.memref_slice %arg2[%dma_start3A_22, %dma_start3A_23] : memref<20736x128xf32, #tpu.memory_space<hbm>> -> memref<20736x128xf32, #tpu.memory_space<hbm>>
    tpu.enqueue_indirect_dma source(%dma_start3A_24 : memref<20736x128xf32, #tpu.memory_space<hbm>>) target(%arg8 : memref<128x128xf32, #tpu.memory_space<vmem>>) offsets(%dma_start3A_21 : memref<128xi32, #tpu.memory_space<vmem>>) semaphore(%arg12 : memref<!tpu.dma_semaphore, #tpu.memory_space<semaphore_mem>>)
    %dma_start3A_25 = arith.constant 3 : i32
    %dma_start3A_26 = arith.constant 0 : i32
    %dma_start3A_27 = tpu.memref_slice %arg5[%dma_start3A_25, %dma_start3A_26] : memref<200x128xi32, #tpu.memory_space<vmem>> -> memref<1x128xi32, #tpu.memory_space<vmem>>
    %dma_start3A_28 = tpu.memref_squeeze %dma_start3A_27 : memref<1x128xi32, #tpu.memory_space<vmem>> -> memref<128xi32, #tpu.memory_space<vmem>>
    %dma_start3A_29 = arith.constant 0 : i32
    %dma_start3A_30 = arith.constant 0 : i32
    %dma_start3A_31 = tpu.memref_slice %arg2[%dma_start3A_29, %dma_start3A_30] : memref<20736x128xf32, #tpu.memory_space<hbm>> -> memref<20736x128xf32, #tpu.memory_space<hbm>>
    tpu.enqueue_indirect_dma source(%dma_start3A_31 : memref<20736x128xf32, #tpu.memory_space<hbm>>) target(%arg9 : memref<128x128xf32, #tpu.memory_space<vmem>>) offsets(%dma_start3A_28 : memref<128xi32, #tpu.memory_space<vmem>>) semaphore(%arg13 : memref<!tpu.dma_semaphore, #tpu.memory_space<semaphore_mem>>)
    %scan3A = arith.constant 0 : i32
    %scan3A_32 = arith.constant 49 : i32
    %scan3A_33 = arith.addi %scan3A, %scan3A_32 : i32
    %scan3A_34 = arith.constant 1 : i32
    scf.for %scan3A_111 = %scan3A to %scan3A_33 step %scan3A_34  : i32 {
      %mul3A_112 = arith.constant 1 : i32
      %mul3A_113 = arith.muli %scan3A_111, %mul3A_112 : i32
      %add3A_114 = arith.constant 0 : i32
      %add3A_115 = arith.addi %add3A_114, %mul3A_113 : i32
      %mul3A_116 = arith.constant 4 : i32
      %mul3A_117 = arith.muli %mul3A_116, %add3A_115 : i32
      %add3A_118 = arith.constant 0 : i32
      %add3A_119 = arith.addi %mul3A_117, %add3A_118 : i32
      %dma_wait3A_120 = arith.constant 0 : i32
      %dma_wait3A_121 = tpu.memref_slice %arg5[%add3A_119, %dma_wait3A_120] : memref<200x128xi32, #tpu.memory_space<vmem>> -> memref<1x128xi32, #tpu.memory_space<vmem>>
      %dma_wait3A_122 = tpu.memref_squeeze %dma_wait3A_121 : memref<1x128xi32, #tpu.memory_space<vmem>> -> memref<128xi32, #tpu.memory_space<vmem>>
      %dma_wait3A_123 = arith.constant 0 : i32
      %dma_wait3A_124 = arith.constant 0 : i32
      %dma_wait3A_125 = tpu.memref_slice %arg2[%dma_wait3A_123, %dma_wait3A_124] : memref<20736x128xf32, #tpu.memory_space<hbm>> -> memref<20736x128xf32, #tpu.memory_space<hbm>>
      tpu.wait_indirect_dma semaphore(%arg10 : memref<!tpu.dma_semaphore, #tpu.memory_space<semaphore_mem>>) src(%dma_wait3A_125 : memref<20736x128xf32, #tpu.memory_space<hbm>>) dst(%arg6 : memref<128x128xf32, #tpu.memory_space<vmem>>)
      %add3A_126 = arith.constant 0 : i32
      %add3A_127 = arith.addi %mul3A_117, %add3A_126 : i32
      %mul3A_128 = arith.constant 128 : i32
      %mul3A_129 = arith.muli %add3A_127, %mul3A_128 : i32
      %add3A_130 = arith.addi %mul3A_2, %mul3A_129 : i32
      %dma_start3A_131 = arith.constant 0 : i32
      %dma_start3A_132 = tpu.memref_slice %arg4[%add3A_130, %dma_start3A_131] : memref<819200x128xf32, #tpu.memory_space<hbm>> -> memref<128x128xf32, #tpu.memory_space<hbm>>
      %dma_start3A_133 = arith.constant 0 : i32
      %dma_start3A_134 = tpu.memref_slice %arg4[%add3A_130, %dma_start3A_133] : memref<819200x128xf32, #tpu.memory_space<hbm>> -> memref<128x128xf32, #tpu.memory_space<hbm>>
      tpu.enqueue_dma source(%arg6 : memref<128x128xf32, #tpu.memory_space<vmem>>) target(%dma_start3A_134 : memref<128x128xf32, #tpu.memory_space<hbm>>) target_semaphore(%arg14 : memref<!tpu.dma_semaphore, #tpu.memory_space<semaphore_mem>>)
      %add3A_135 = arith.constant 1 : i32
      %add3A_136 = arith.addi %mul3A_117, %add3A_135 : i32
      %dma_wait3A_137 = arith.constant 0 : i32
      %dma_wait3A_138 = tpu.memref_slice %arg5[%add3A_136, %dma_wait3A_137] : memref<200x128xi32, #tpu.memory_space<vmem>> -> memref<1x128xi32, #tpu.memory_space<vmem>>
      %dma_wait3A_139 = tpu.memref_squeeze %dma_wait3A_138 : memref<1x128xi32, #tpu.memory_space<vmem>> -> memref<128xi32, #tpu.memory_space<vmem>>
      %dma_wait3A_140 = arith.constant 0 : i32
      %dma_wait3A_141 = arith.constant 0 : i32
      %dma_wait3A_142 = tpu.memref_slice %arg2[%dma_wait3A_140, %dma_wait3A_141] : memref<20736x128xf32, #tpu.memory_space<hbm>> -> memref<20736x128xf32, #tpu.memory_space<hbm>>
      tpu.wait_indirect_dma semaphore(%arg11 : memref<!tpu.dma_semaphore, #tpu.memory_space<semaphore_mem>>) src(%dma_wait3A_142 : memref<20736x128xf32, #tpu.memory_space<hbm>>) dst(%arg7 : memref<128x128xf32, #tpu.memory_space<vmem>>)
      %add3A_143 = arith.constant 1 : i32
      %add3A_144 = arith.addi %mul3A_117, %add3A_143 : i32
      %mul3A_145 = arith.constant 128 : i32
      %mul3A_146 = arith.muli %add3A_144, %mul3A_145 : i32
      %add3A_147 = arith.addi %mul3A_2, %mul3A_146 : i32
      %dma_start3A_148 = arith.constant 0 : i32
      %dma_start3A_149 = tpu.memref_slice %arg4[%add3A_147, %dma_start3A_148] : memref<819200x128xf32, #tpu.memory_space<hbm>> -> memref<128x128xf32, #tpu.memory_space<hbm>>
      %dma_start3A_150 = arith.constant 0 : i32
      %dma_start3A_151 = tpu.memref_slice %arg4[%add3A_147, %dma_start3A_150] : memref<819200x128xf32, #tpu.memory_space<hbm>> -> memref<128x128xf32, #tpu.memory_space<hbm>>
      tpu.enqueue_dma source(%arg7 : memref<128x128xf32, #tpu.memory_space<vmem>>) target(%dma_start3A_151 : memref<128x128xf32, #tpu.memory_space<hbm>>) target_semaphore(%arg15 : memref<!tpu.dma_semaphore, #tpu.memory_space<semaphore_mem>>)
      %add3A_152 = arith.constant 2 : i32
      %add3A_153 = arith.addi %mul3A_117, %add3A_152 : i32
      %dma_wait3A_154 = arith.constant 0 : i32
      %dma_wait3A_155 = tpu.memref_slice %arg5[%add3A_153, %dma_wait3A_154] : memref<200x128xi32, #tpu.memory_space<vmem>> -> memref<1x128xi32, #tpu.memory_space<vmem>>
      %dma_wait3A_156 = tpu.memref_squeeze %dma_wait3A_155 : memref<1x128xi32, #tpu.memory_space<vmem>> -> memref<128xi32, #tpu.memory_space<vmem>>
      %dma_wait3A_157 = arith.constant 0 : i32
      %dma_wait3A_158 = arith.constant 0 : i32
      %dma_wait3A_159 = tpu.memref_slice %arg2[%dma_wait3A_157, %dma_wait3A_158] : memref<20736x128xf32, #tpu.memory_space<hbm>> -> memref<20736x128xf32, #tpu.memory_space<hbm>>
      tpu.wait_indirect_dma semaphore(%arg12 : memref<!tpu.dma_semaphore, #tpu.memory_space<semaphore_mem>>) src(%dma_wait3A_159 : memref<20736x128xf32, #tpu.memory_space<hbm>>) dst(%arg8 : memref<128x128xf32, #tpu.memory_space<vmem>>)
      %add3A_160 = arith.constant 2 : i32
      %add3A_161 = arith.addi %mul3A_117, %add3A_160 : i32
      %mul3A_162 = arith.constant 128 : i32
      %mul3A_163 = arith.muli %add3A_161, %mul3A_162 : i32
      %add3A_164 = arith.addi %mul3A_2, %mul3A_163 : i32
      %dma_start3A_165 = arith.constant 0 : i32
      %dma_start3A_166 = tpu.memref_slice %arg4[%add3A_164, %dma_start3A_165] : memref<819200x128xf32, #tpu.memory_space<hbm>> -> memref<128x128xf32, #tpu.memory_space<hbm>>
      %dma_start3A_167 = arith.constant 0 : i32
      %dma_start3A_168 = tpu.memref_slice %arg4[%add3A_164, %dma_start3A_167] : memref<819200x128xf32, #tpu.memory_space<hbm>> -> memref<128x128xf32, #tpu.memory_space<hbm>>
      tpu.enqueue_dma source(%arg8 : memref<128x128xf32, #tpu.memory_space<vmem>>) target(%dma_start3A_168 : memref<128x128xf32, #tpu.memory_space<hbm>>) target_semaphore(%arg16 : memref<!tpu.dma_semaphore, #tpu.memory_space<semaphore_mem>>)
      %add3A_169 = arith.constant 3 : i32
      %add3A_170 = arith.addi %mul3A_117, %add3A_169 : i32
      %dma_wait3A_171 = arith.constant 0 : i32
      %dma_wait3A_172 = tpu.memref_slice %arg5[%add3A_170, %dma_wait3A_171] : memref<200x128xi32, #tpu.memory_space<vmem>> -> memref<1x128xi32, #tpu.memory_space<vmem>>
      %dma_wait3A_173 = tpu.memref_squeeze %dma_wait3A_172 : memref<1x128xi32, #tpu.memory_space<vmem>> -> memref<128xi32, #tpu.memory_space<vmem>>
      %dma_wait3A_174 = arith.constant 0 : i32
      %dma_wait3A_175 = arith.constant 0 : i32
      %dma_wait3A_176 = tpu.memref_slice %arg2[%dma_wait3A_174, %dma_wait3A_175] : memref<20736x128xf32, #tpu.memory_space<hbm>> -> memref<20736x128xf32, #tpu.memory_space<hbm>>
      tpu.wait_indirect_dma semaphore(%arg13 : memref<!tpu.dma_semaphore, #tpu.memory_space<semaphore_mem>>) src(%dma_wait3A_176 : memref<20736x128xf32, #tpu.memory_space<hbm>>) dst(%arg9 : memref<128x128xf32, #tpu.memory_space<vmem>>)
      %add3A_177 = arith.constant 3 : i32
      %add3A_178 = arith.addi %mul3A_117, %add3A_177 : i32
      %mul3A_179 = arith.constant 128 : i32
      %mul3A_180 = arith.muli %add3A_178, %mul3A_179 : i32
      %add3A_181 = arith.addi %mul3A_2, %mul3A_180 : i32
      %dma_start3A_182 = arith.constant 0 : i32
      %dma_start3A_183 = tpu.memref_slice %arg4[%add3A_181, %dma_start3A_182] : memref<819200x128xf32, #tpu.memory_space<hbm>> -> memref<128x128xf32, #tpu.memory_space<hbm>>
      %dma_start3A_184 = arith.constant 0 : i32
      %dma_start3A_185 = tpu.memref_slice %arg4[%add3A_181, %dma_start3A_184] : memref<819200x128xf32, #tpu.memory_space<hbm>> -> memref<128x128xf32, #tpu.memory_space<hbm>>
      tpu.enqueue_dma source(%arg9 : memref<128x128xf32, #tpu.memory_space<vmem>>) target(%dma_start3A_185 : memref<128x128xf32, #tpu.memory_space<hbm>>) target_semaphore(%arg17 : memref<!tpu.dma_semaphore, #tpu.memory_space<semaphore_mem>>)
      %add3A_186 = arith.constant 0 : i32
      %add3A_187 = arith.addi %mul3A_117, %add3A_186 : i32
      %mul3A_188 = arith.constant 128 : i32
      %mul3A_189 = arith.muli %add3A_187, %mul3A_188 : i32
      %add3A_190 = arith.addi %mul3A_2, %mul3A_189 : i32
      %dma_wait3A_191 = arith.constant 0 : i32
      %dma_wait3A_192 = tpu.memref_slice %arg4[%add3A_190, %dma_wait3A_191] : memref<819200x128xf32, #tpu.memory_space<hbm>> -> memref<128x128xf32, #tpu.memory_space<hbm>>
      %dma_wait3A_193 = arith.constant 0 : i32
      %dma_wait3A_194 = tpu.memref_slice %arg4[%add3A_190, %dma_wait3A_193] : memref<819200x128xf32, #tpu.memory_space<hbm>> -> memref<128x128xf32, #tpu.memory_space<hbm>>
      tpu.wait_dma2 semaphore(%arg14 : memref<!tpu.dma_semaphore, #tpu.memory_space<semaphore_mem>>) src(%arg6 : memref<128x128xf32, #tpu.memory_space<vmem>>) dst(%dma_wait3A_194 : memref<128x128xf32, #tpu.memory_space<hbm>>)
      %add3A_195 = arith.constant 4 : i32
      %add3A_196 = arith.addi %mul3A_117, %add3A_195 : i32
      %add3A_197 = arith.constant 0 : i32
      %add3A_198 = arith.addi %add3A_196, %add3A_197 : i32
      %dma_start3A_199 = arith.constant 0 : i32
      %dma_start3A_200 = tpu.memref_slice %arg5[%add3A_198, %dma_start3A_199] : memref<200x128xi32, #tpu.memory_space<vmem>> -> memref<1x128xi32, #tpu.memory_space<vmem>>
      %dma_start3A_201 = tpu.memref_squeeze %dma_start3A_200 : memref<1x128xi32, #tpu.memory_space<vmem>> -> memref<128xi32, #tpu.memory_space<vmem>>
      %dma_start3A_202 = arith.constant 0 : i32
      %dma_start3A_203 = arith.constant 0 : i32
      %dma_start3A_204 = tpu.memref_slice %arg2[%dma_start3A_202, %dma_start3A_203] : memref<20736x128xf32, #tpu.memory_space<hbm>> -> memref<20736x128xf32, #tpu.memory_space<hbm>>
      tpu.enqueue_indirect_dma source(%dma_start3A_204 : memref<20736x128xf32, #tpu.memory_space<hbm>>) target(%arg6 : memref<128x128xf32, #tpu.memory_space<vmem>>) offsets(%dma_start3A_201 : memref<128xi32, #tpu.memory_space<vmem>>) semaphore(%arg10 : memref<!tpu.dma_semaphore, #tpu.memory_space<semaphore_mem>>)
      %add3A_205 = arith.constant 1 : i32
      %add3A_206 = arith.addi %mul3A_117, %add3A_205 : i32
      %mul3A_207 = arith.constant 128 : i32
      %mul3A_208 = arith.muli %add3A_206, %mul3A_207 : i32
      %add3A_209 = arith.addi %mul3A_2, %mul3A_208 : i32
      %dma_wait3A_210 = arith.constant 0 : i32
      %dma_wait3A_211 = tpu.memref_slice %arg4[%add3A_209, %dma_wait3A_210] : memref<819200x128xf32, #tpu.memory_space<hbm>> -> memref<128x128xf32, #tpu.memory_space<hbm>>
      %dma_wait3A_212 = arith.constant 0 : i32
      %dma_wait3A_213 = tpu.memref_slice %arg4[%add3A_209, %dma_wait3A_212] : memref<819200x128xf32, #tpu.memory_space<hbm>> -> memref<128x128xf32, #tpu.memory_space<hbm>>
      tpu.wait_dma2 semaphore(%arg15 : memref<!tpu.dma_semaphore, #tpu.memory_space<semaphore_mem>>) src(%arg7 : memref<128x128xf32, #tpu.memory_space<vmem>>) dst(%dma_wait3A_213 : memref<128x128xf32, #tpu.memory_space<hbm>>)
      %add3A_214 = arith.constant 4 : i32
      %add3A_215 = arith.addi %mul3A_117, %add3A_214 : i32
      %add3A_216 = arith.constant 1 : i32
      %add3A_217 = arith.addi %add3A_215, %add3A_216 : i32
      %dma_start3A_218 = arith.constant 0 : i32
      %dma_start3A_219 = tpu.memref_slice %arg5[%add3A_217, %dma_start3A_218] : memref<200x128xi32, #tpu.memory_space<vmem>> -> memref<1x128xi32, #tpu.memory_space<vmem>>
      %dma_start3A_220 = tpu.memref_squeeze %dma_start3A_219 : memref<1x128xi32, #tpu.memory_space<vmem>> -> memref<128xi32, #tpu.memory_space<vmem>>
      %dma_start3A_221 = arith.constant 0 : i32
      %dma_start3A_222 = arith.constant 0 : i32
      %dma_start3A_223 = tpu.memref_slice %arg2[%dma_start3A_221, %dma_start3A_222] : memref<20736x128xf32, #tpu.memory_space<hbm>> -> memref<20736x128xf32, #tpu.memory_space<hbm>>
      tpu.enqueue_indirect_dma source(%dma_start3A_223 : memref<20736x128xf32, #tpu.memory_space<hbm>>) target(%arg7 : memref<128x128xf32, #tpu.memory_space<vmem>>) offsets(%dma_start3A_220 : memref<128xi32, #tpu.memory_space<vmem>>) semaphore(%arg11 : memref<!tpu.dma_semaphore, #tpu.memory_space<semaphore_mem>>)
      %add3A_224 = arith.constant 2 : i32
      %add3A_225 = arith.addi %mul3A_117, %add3A_224 : i32
      %mul3A_226 = arith.constant 128 : i32
      %mul3A_227 = arith.muli %add3A_225, %mul3A_226 : i32
      %add3A_228 = arith.addi %mul3A_2, %mul3A_227 : i32
      %dma_wait3A_229 = arith.constant 0 : i32
      %dma_wait3A_230 = tpu.memref_slice %arg4[%add3A_228, %dma_wait3A_229] : memref<819200x128xf32, #tpu.memory_space<hbm>> -> memref<128x128xf32, #tpu.memory_space<hbm>>
      %dma_wait3A_231 = arith.constant 0 : i32
      %dma_wait3A_232 = tpu.memref_slice %arg4[%add3A_228, %dma_wait3A_231] : memref<819200x128xf32, #tpu.memory_space<hbm>> -> memref<128x128xf32, #tpu.memory_space<hbm>>
      tpu.wait_dma2 semaphore(%arg16 : memref<!tpu.dma_semaphore, #tpu.memory_space<semaphore_mem>>) src(%arg8 : memref<128x128xf32, #tpu.memory_space<vmem>>) dst(%dma_wait3A_232 : memref<128x128xf32, #tpu.memory_space<hbm>>)
      %add3A_233 = arith.constant 4 : i32
      %add3A_234 = arith.addi %mul3A_117, %add3A_233 : i32
      %add3A_235 = arith.constant 2 : i32
      %add3A_236 = arith.addi %add3A_234, %add3A_235 : i32
      %dma_start3A_237 = arith.constant 0 : i32
      %dma_start3A_238 = tpu.memref_slice %arg5[%add3A_236, %dma_start3A_237] : memref<200x128xi32, #tpu.memory_space<vmem>> -> memref<1x128xi32, #tpu.memory_space<vmem>>
      %dma_start3A_239 = tpu.memref_squeeze %dma_start3A_238 : memref<1x128xi32, #tpu.memory_space<vmem>> -> memref<128xi32, #tpu.memory_space<vmem>>
      %dma_start3A_240 = arith.constant 0 : i32
      %dma_start3A_241 = arith.constant 0 : i32
      %dma_start3A_242 = tpu.memref_slice %arg2[%dma_start3A_240, %dma_start3A_241] : memref<20736x128xf32, #tpu.memory_space<hbm>> -> memref<20736x128xf32, #tpu.memory_space<hbm>>
      tpu.enqueue_indirect_dma source(%dma_start3A_242 : memref<20736x128xf32, #tpu.memory_space<hbm>>) target(%arg8 : memref<128x128xf32, #tpu.memory_space<vmem>>) offsets(%dma_start3A_239 : memref<128xi32, #tpu.memory_space<vmem>>) semaphore(%arg12 : memref<!tpu.dma_semaphore, #tpu.memory_space<semaphore_mem>>)
      %add3A_243 = arith.constant 3 : i32
      %add3A_244 = arith.addi %mul3A_117, %add3A_243 : i32
      %mul3A_245 = arith.constant 128 : i32
      %mul3A_246 = arith.muli %add3A_244, %mul3A_245 : i32
      %add3A_247 = arith.addi %mul3A_2, %mul3A_246 : i32
      %dma_wait3A_248 = arith.constant 0 : i32
      %dma_wait3A_249 = tpu.memref_slice %arg4[%add3A_247, %dma_wait3A_248] : memref<819200x128xf32, #tpu.memory_space<hbm>> -> memref<128x128xf32, #tpu.memory_space<hbm>>
      %dma_wait3A_250 = arith.constant 0 : i32
      %dma_wait3A_251 = tpu.memref_slice %arg4[%add3A_247, %dma_wait3A_250] : memref<819200x128xf32, #tpu.memory_space<hbm>> -> memref<128x128xf32, #tpu.memory_space<hbm>>
      tpu.wait_dma2 semaphore(%arg17 : memref<!tpu.dma_semaphore, #tpu.memory_space<semaphore_mem>>) src(%arg9 : memref<128x128xf32, #tpu.memory_space<vmem>>) dst(%dma_wait3A_251 : memref<128x128xf32, #tpu.memory_space<hbm>>)
      %add3A_252 = arith.constant 4 : i32
      %add3A_253 = arith.addi %mul3A_117, %add3A_252 : i32
      %add3A_254 = arith.constant 3 : i32
      %add3A_255 = arith.addi %add3A_253, %add3A_254 : i32
      %dma_start3A_256 = arith.constant 0 : i32
      %dma_start3A_257 = tpu.memref_slice %arg5[%add3A_255, %dma_start3A_256] : memref<200x128xi32, #tpu.memory_space<vmem>> -> memref<1x128xi32, #tpu.memory_space<vmem>>
      %dma_start3A_258 = tpu.memref_squeeze %dma_start3A_257 : memref<1x128xi32, #tpu.memory_space<vmem>> -> memref<128xi32, #tpu.memory_space<vmem>>
      %dma_start3A_259 = arith.constant 0 : i32
      %dma_start3A_260 = arith.constant 0 : i32
      %dma_start3A_261 = tpu.memref_slice %arg2[%dma_start3A_259, %dma_start3A_260] : memref<20736x128xf32, #tpu.memory_space<hbm>> -> memref<20736x128xf32, #tpu.memory_space<hbm>>
      tpu.enqueue_indirect_dma source(%dma_start3A_261 : memref<20736x128xf32, #tpu.memory_space<hbm>>) target(%arg9 : memref<128x128xf32, #tpu.memory_space<vmem>>) offsets(%dma_start3A_258 : memref<128xi32, #tpu.memory_space<vmem>>) semaphore(%arg13 : memref<!tpu.dma_semaphore, #tpu.memory_space<semaphore_mem>>)
    }
    %scan3A_35 = arith.constant 49 : i32
    %dma_wait3A = arith.constant 196 : i32
    %dma_wait3A_36 = arith.constant 0 : i32
    %dma_wait3A_37 = tpu.memref_slice %arg5[%dma_wait3A, %dma_wait3A_36] : memref<200x128xi32, #tpu.memory_space<vmem>> -> memref<1x128xi32, #tpu.memory_space<vmem>>
    %dma_wait3A_38 = tpu.memref_squeeze %dma_wait3A_37 : memref<1x128xi32, #tpu.memory_space<vmem>> -> memref<128xi32, #tpu.memory_space<vmem>>
    %dma_wait3A_39 = arith.constant 0 : i32
    %dma_wait3A_40 = arith.constant 0 : i32
    %dma_wait3A_41 = tpu.memref_slice %arg2[%dma_wait3A_39, %dma_wait3A_40] : memref<20736x128xf32, #tpu.memory_space<hbm>> -> memref<20736x128xf32, #tpu.memory_space<hbm>>
    tpu.wait_indirect_dma semaphore(%arg10 : memref<!tpu.dma_semaphore, #tpu.memory_space<semaphore_mem>>) src(%dma_wait3A_41 : memref<20736x128xf32, #tpu.memory_space<hbm>>) dst(%arg6 : memref<128x128xf32, #tpu.memory_space<vmem>>)
    %add3A_42 = arith.constant 25088 : i32
    %add3A_43 = arith.addi %mul3A_2, %add3A_42 : i32
    %dma_start3A_44 = arith.constant 0 : i32
    %dma_start3A_45 = tpu.memref_slice %arg4[%add3A_43, %dma_start3A_44] : memref<819200x128xf32, #tpu.memory_space<hbm>> -> memref<128x128xf32, #tpu.memory_space<hbm>>
    %dma_start3A_46 = arith.constant 0 : i32
    %dma_start3A_47 = tpu.memref_slice %arg4[%add3A_43, %dma_start3A_46] : memref<819200x128xf32, #tpu.memory_space<hbm>> -> memref<128x128xf32, #tpu.memory_space<hbm>>
    tpu.enqueue_dma source(%arg6 : memref<128x128xf32, #tpu.memory_space<vmem>>) target(%dma_start3A_47 : memref<128x128xf32, #tpu.memory_space<hbm>>) target_semaphore(%arg14 : memref<!tpu.dma_semaphore, #tpu.memory_space<semaphore_mem>>)
    %dma_wait3A_48 = arith.constant 197 : i32
    %dma_wait3A_49 = arith.constant 0 : i32
    %dma_wait3A_50 = tpu.memref_slice %arg5[%dma_wait3A_48, %dma_wait3A_49] : memref<200x128xi32, #tpu.memory_space<vmem>> -> memref<1x128xi32, #tpu.memory_space<vmem>>
    %dma_wait3A_51 = tpu.memref_squeeze %dma_wait3A_50 : memref<1x128xi32, #tpu.memory_space<vmem>> -> memref<128xi32, #tpu.memory_space<vmem>>
    %dma_wait3A_52 = arith.constant 0 : i32
    %dma_wait3A_53 = arith.constant 0 : i32
    %dma_wait3A_54 = tpu.memref_slice %arg2[%dma_wait3A_52, %dma_wait3A_53] : memref<20736x128xf32, #tpu.memory_space<hbm>> -> memref<20736x128xf32, #tpu.memory_space<hbm>>
    tpu.wait_indirect_dma semaphore(%arg11 : memref<!tpu.dma_semaphore, #tpu.memory_space<semaphore_mem>>) src(%dma_wait3A_54 : memref<20736x128xf32, #tpu.memory_space<hbm>>) dst(%arg7 : memref<128x128xf32, #tpu.memory_space<vmem>>)
    %add3A_55 = arith.constant 25216 : i32
    %add3A_56 = arith.addi %mul3A_2, %add3A_55 : i32
    %dma_start3A_57 = arith.constant 0 : i32
    %dma_start3A_58 = tpu.memref_slice %arg4[%add3A_56, %dma_start3A_57] : memref<819200x128xf32, #tpu.memory_space<hbm>> -> memref<128x128xf32, #tpu.memory_space<hbm>>
    %dma_start3A_59 = arith.constant 0 : i32
    %dma_start3A_60 = tpu.memref_slice %arg4[%add3A_56, %dma_start3A_59] : memref<819200x128xf32, #tpu.memory_space<hbm>> -> memref<128x128xf32, #tpu.memory_space<hbm>>
    tpu.enqueue_dma source(%arg7 : memref<128x128xf32, #tpu.memory_space<vmem>>) target(%dma_start3A_60 : memref<128x128xf32, #tpu.memory_space<hbm>>) target_semaphore(%arg15 : memref<!tpu.dma_semaphore, #tpu.memory_space<semaphore_mem>>)
    %dma_wait3A_61 = arith.constant 198 : i32
    %dma_wait3A_62 = arith.constant 0 : i32
    %dma_wait3A_63 = tpu.memref_slice %arg5[%dma_wait3A_61, %dma_wait3A_62] : memref<200x128xi32, #tpu.memory_space<vmem>> -> memref<1x128xi32, #tpu.memory_space<vmem>>
    %dma_wait3A_64 = tpu.memref_squeeze %dma_wait3A_63 : memref<1x128xi32, #tpu.memory_space<vmem>> -> memref<128xi32, #tpu.memory_space<vmem>>
    %dma_wait3A_65 = arith.constant 0 : i32
    %dma_wait3A_66 = arith.constant 0 : i32
    %dma_wait3A_67 = tpu.memref_slice %arg2[%dma_wait3A_65, %dma_wait3A_66] : memref<20736x128xf32, #tpu.memory_space<hbm>> -> memref<20736x128xf32, #tpu.memory_space<hbm>>
    tpu.wait_indirect_dma semaphore(%arg12 : memref<!tpu.dma_semaphore, #tpu.memory_space<semaphore_mem>>) src(%dma_wait3A_67 : memref<20736x128xf32, #tpu.memory_space<hbm>>) dst(%arg8 : memref<128x128xf32, #tpu.memory_space<vmem>>)
    %add3A_68 = arith.constant 25344 : i32
    %add3A_69 = arith.addi %mul3A_2, %add3A_68 : i32
    %dma_start3A_70 = arith.constant 0 : i32
    %dma_start3A_71 = tpu.memref_slice %arg4[%add3A_69, %dma_start3A_70] : memref<819200x128xf32, #tpu.memory_space<hbm>> -> memref<128x128xf32, #tpu.memory_space<hbm>>
    %dma_start3A_72 = arith.constant 0 : i32
    %dma_start3A_73 = tpu.memref_slice %arg4[%add3A_69, %dma_start3A_72] : memref<819200x128xf32, #tpu.memory_space<hbm>> -> memref<128x128xf32, #tpu.memory_space<hbm>>
    tpu.enqueue_dma source(%arg8 : memref<128x128xf32, #tpu.memory_space<vmem>>) target(%dma_start3A_73 : memref<128x128xf32, #tpu.memory_space<hbm>>) target_semaphore(%arg16 : memref<!tpu.dma_semaphore, #tpu.memory_space<semaphore_mem>>)
    %dma_wait3A_74 = arith.constant 199 : i32
    %dma_wait3A_75 = arith.constant 0 : i32
    %dma_wait3A_76 = tpu.memref_slice %arg5[%dma_wait3A_74, %dma_wait3A_75] : memref<200x128xi32, #tpu.memory_space<vmem>> -> memref<1x128xi32, #tpu.memory_space<vmem>>
    %dma_wait3A_77 = tpu.memref_squeeze %dma_wait3A_76 : memref<1x128xi32, #tpu.memory_space<vmem>> -> memref<128xi32, #tpu.memory_space<vmem>>
    %dma_wait3A_78 = arith.constant 0 : i32
    %dma_wait3A_79 = arith.constant 0 : i32
    %dma_wait3A_80 = tpu.memref_slice %arg2[%dma_wait3A_78, %dma_wait3A_79] : memref<20736x128xf32, #tpu.memory_space<hbm>> -> memref<20736x128xf32, #tpu.memory_space<hbm>>
    tpu.wait_indirect_dma semaphore(%arg13 : memref<!tpu.dma_semaphore, #tpu.memory_space<semaphore_mem>>) src(%dma_wait3A_80 : memref<20736x128xf32, #tpu.memory_space<hbm>>) dst(%arg9 : memref<128x128xf32, #tpu.memory_space<vmem>>)
    %add3A_81 = arith.constant 25472 : i32
    %add3A_82 = arith.addi %mul3A_2, %add3A_81 : i32
    %dma_start3A_83 = arith.constant 0 : i32
    %dma_start3A_84 = tpu.memref_slice %arg4[%add3A_82, %dma_start3A_83] : memref<819200x128xf32, #tpu.memory_space<hbm>> -> memref<128x128xf32, #tpu.memory_space<hbm>>
    %dma_start3A_85 = arith.constant 0 : i32
    %dma_start3A_86 = tpu.memref_slice %arg4[%add3A_82, %dma_start3A_85] : memref<819200x128xf32, #tpu.memory_space<hbm>> -> memref<128x128xf32, #tpu.memory_space<hbm>>
    tpu.enqueue_dma source(%arg9 : memref<128x128xf32, #tpu.memory_space<vmem>>) target(%dma_start3A_86 : memref<128x128xf32, #tpu.memory_space<hbm>>) target_semaphore(%arg17 : memref<!tpu.dma_semaphore, #tpu.memory_space<semaphore_mem>>)
    %add3A_87 = arith.constant 25088 : i32
    %add3A_88 = arith.addi %mul3A_2, %add3A_87 : i32
    %dma_wait3A_89 = arith.constant 0 : i32
    %dma_wait3A_90 = tpu.memref_slice %arg4[%add3A_88, %dma_wait3A_89] : memref<819200x128xf32, #tpu.memory_space<hbm>> -> memref<128x128xf32, #tpu.memory_space<hbm>>
    %dma_wait3A_91 = arith.constant 0 : i32
    %dma_wait3A_92 = tpu.memref_slice %arg4[%add3A_88, %dma_wait3A_91] : memref<819200x128xf32, #tpu.memory_space<hbm>> -> memref<128x128xf32, #tpu.memory_space<hbm>>
    tpu.wait_dma2 semaphore(%arg14 : memref<!tpu.dma_semaphore, #tpu.memory_space<semaphore_mem>>) src(%arg6 : memref<128x128xf32, #tpu.memory_space<vmem>>) dst(%dma_wait3A_92 : memref<128x128xf32, #tpu.memory_space<hbm>>)
    %add3A_93 = arith.constant 25216 : i32
    %add3A_94 = arith.addi %mul3A_2, %add3A_93 : i32
    %dma_wait3A_95 = arith.constant 0 : i32
    %dma_wait3A_96 = tpu.memref_slice %arg4[%add3A_94, %dma_wait3A_95] : memref<819200x128xf32, #tpu.memory_space<hbm>> -> memref<128x128xf32, #tpu.memory_space<hbm>>
    %dma_wait3A_97 = arith.constant 0 : i32
    %dma_wait3A_98 = tpu.memref_slice %arg4[%add3A_94, %dma_wait3A_97] : memref<819200x128xf32, #tpu.memory_space<hbm>> -> memref<128x128xf32, #tpu.memory_space<hbm>>
    tpu.wait_dma2 semaphore(%arg15 : memref<!tpu.dma_semaphore, #tpu.memory_space<semaphore_mem>>) src(%arg7 : memref<128x128xf32, #tpu.memory_space<vmem>>) dst(%dma_wait3A_98 : memref<128x128xf32, #tpu.memory_space<hbm>>)
    %add3A_99 = arith.constant 25344 : i32
    %add3A_100 = arith.addi %mul3A_2, %add3A_99 : i32
    %dma_wait3A_101 = arith.constant 0 : i32
    %dma_wait3A_102 = tpu.memref_slice %arg4[%add3A_100, %dma_wait3A_101] : memref<819200x128xf32, #tpu.memory_space<hbm>> -> memref<128x128xf32, #tpu.memory_space<hbm>>
    %dma_wait3A_103 = arith.constant 0 : i32
    %dma_wait3A_104 = tpu.memref_slice %arg4[%add3A_100, %dma_wait3A_103] : memref<819200x128xf32, #tpu.memory_space<hbm>> -> memref<128x128xf32, #tpu.memory_space<hbm>>
    tpu.wait_dma2 semaphore(%arg16 : memref<!tpu.dma_semaphore, #tpu.memory_space<semaphore_mem>>) src(%arg8 : memref<128x128xf32, #tpu.memory_space<vmem>>) dst(%dma_wait3A_104 : memref<128x128xf32, #tpu.memory_space<hbm>>)
    %add3A_105 = arith.constant 25472 : i32
    %add3A_106 = arith.addi %mul3A_2, %add3A_105 : i32
    %dma_wait3A_107 = arith.constant 0 : i32
    %dma_wait3A_108 = tpu.memref_slice %arg4[%add3A_106, %dma_wait3A_107] : memref<819200x128xf32, #tpu.memory_space<hbm>> -> memref<128x128xf32, #tpu.memory_space<hbm>>
    %dma_wait3A_109 = arith.constant 0 : i32
    %dma_wait3A_110 = tpu.memref_slice %arg4[%add3A_106, %dma_wait3A_109] : memref<819200x128xf32, #tpu.memory_space<hbm>> -> memref<128x128xf32, #tpu.memory_space<hbm>>
    tpu.wait_dma2 semaphore(%arg17 : memref<!tpu.dma_semaphore, #tpu.memory_space<semaphore_mem>>) src(%arg9 : memref<128x128xf32, #tpu.memory_space<vmem>>) dst(%dma_wait3A_110 : memref<128x128xf32, #tpu.memory_space<hbm>>)
    return
  }
}

module attributes {stable_mosaic.version = 14 : i64} {
  func.func @_prep_body(%arg0: memref<4x800x1024xi32, #tpu.memory_space<vmem>>, %arg1: memref<100x16xf32, #tpu.memory_space<vmem>>, %arg2: memref<12x16xf32, #tpu.memory_space<vmem>>, %arg3: memref<31x16xf32, #tpu.memory_space<vmem>>, %arg4: memref<24x16xf32, #tpu.memory_space<vmem>>, %arg5: memref<64x128xf32, #tpu.memory_space<vmem>>, %arg6: memref<1x128xf32, #tpu.memory_space<vmem>>, %arg7: memref<800x1024xi32, #tpu.memory_space<vmem>>, %arg8: memref<20736x128xf32, #tpu.memory_space<vmem>>) attributes {dimension_semantics = [], scalar_prefetch = 0 : i64, scratch_operands = 0 : i64, tpu.core_type = #tpu.core_type<tc>} {
    %get3A = arith.constant 0 : index
    %get3A_0 = arith.constant 0 : index
    %get3A_1 = arith.constant 0 : index
    %get3A_2 = vector.load %arg0[%get3A, %get3A_0, %get3A_1] : memref<4x800x1024xi32, #tpu.memory_space<vmem>>, vector<1x800x1024xi32>
    %get3A_3 = vector.shape_cast %get3A_2 : vector<1x800x1024xi32> to vector<800x1024xi32>
    %jit3A = arith.constant 0 : i32
    %jit3A_4 = arith.constant 11 : i32
    %max3A = vector.broadcast %jit3A : i32 to vector<800x1024xi32>
    %max3A_5 = arith.maxsi %max3A, %get3A_3 : vector<800x1024xi32>
    %min3A = vector.broadcast %jit3A_4 : i32 to vector<800x1024xi32>
    %min3A_6 = arith.minsi %min3A, %max3A_5 : vector<800x1024xi32>
    %get3A_7 = arith.constant 1 : index
    %get3A_8 = arith.constant 0 : index
    %get3A_9 = arith.constant 0 : index
    %get3A_10 = vector.load %arg0[%get3A_7, %get3A_8, %get3A_9] : memref<4x800x1024xi32, #tpu.memory_space<vmem>>, vector<1x800x1024xi32>
    %get3A_11 = vector.shape_cast %get3A_10 : vector<1x800x1024xi32> to vector<800x1024xi32>
    %jit3A_12 = arith.constant 0 : i32
    %jit3A_13 = arith.constant 11 : i32
    %max3A_14 = vector.broadcast %jit3A_12 : i32 to vector<800x1024xi32>
    %max3A_15 = arith.maxsi %max3A_14, %get3A_11 : vector<800x1024xi32>
    %min3A_16 = vector.broadcast %jit3A_13 : i32 to vector<800x1024xi32>
    %min3A_17 = arith.minsi %min3A_16, %max3A_15 : vector<800x1024xi32>
    %get3A_18 = arith.constant 2 : index
    %get3A_19 = arith.constant 0 : index
    %get3A_20 = arith.constant 0 : index
    %get3A_21 = vector.load %arg0[%get3A_18, %get3A_19, %get3A_20] : memref<4x800x1024xi32, #tpu.memory_space<vmem>>, vector<1x800x1024xi32>
    %get3A_22 = vector.shape_cast %get3A_21 : vector<1x800x1024xi32> to vector<800x1024xi32>
    %jit3A_23 = arith.constant 0 : i32
    %jit3A_24 = arith.constant 11 : i32
    %max3A_25 = vector.broadcast %jit3A_23 : i32 to vector<800x1024xi32>
    %max3A_26 = arith.maxsi %max3A_25, %get3A_22 : vector<800x1024xi32>
    %min3A_27 = vector.broadcast %jit3A_24 : i32 to vector<800x1024xi32>
    %min3A_28 = arith.minsi %min3A_27, %max3A_26 : vector<800x1024xi32>
    %get3A_29 = arith.constant 3 : index
    %get3A_30 = arith.constant 0 : index
    %get3A_31 = arith.constant 0 : index
    %get3A_32 = vector.load %arg0[%get3A_29, %get3A_30, %get3A_31] : memref<4x800x1024xi32, #tpu.memory_space<vmem>>, vector<1x800x1024xi32>
    %get3A_33 = vector.shape_cast %get3A_32 : vector<1x800x1024xi32> to vector<800x1024xi32>
    %jit3A_34 = arith.constant 0 : i32
    %jit3A_35 = arith.constant 11 : i32
    %max3A_36 = vector.broadcast %jit3A_34 : i32 to vector<800x1024xi32>
    %max3A_37 = arith.maxsi %max3A_36, %get3A_33 : vector<800x1024xi32>
    %min3A_38 = vector.broadcast %jit3A_35 : i32 to vector<800x1024xi32>
    %min3A_39 = arith.minsi %min3A_38, %max3A_37 : vector<800x1024xi32>
    %mul3A = arith.constant 12 : i32
    %mul3A_40 = vector.broadcast %mul3A : i32 to vector<800x1024xi32>
    %mul3A_41 = arith.muli %min3A_6, %mul3A_40 : vector<800x1024xi32>
    %add3A = arith.addi %mul3A_41, %min3A_17 : vector<800x1024xi32>
    %mul3A_42 = arith.constant 12 : i32
    %mul3A_43 = vector.broadcast %mul3A_42 : i32 to vector<800x1024xi32>
    %mul3A_44 = arith.muli %add3A, %mul3A_43 : vector<800x1024xi32>
    %add3A_45 = arith.addi %mul3A_44, %min3A_28 : vector<800x1024xi32>
    %mul3A_46 = arith.constant 12 : i32
    %mul3A_47 = vector.broadcast %mul3A_46 : i32 to vector<800x1024xi32>
    %mul3A_48 = arith.muli %add3A_45, %mul3A_47 : vector<800x1024xi32>
    %add3A_49 = arith.addi %mul3A_48, %min3A_39 : vector<800x1024xi32>
    %swap3A = arith.constant 0 : index
    %swap3A_50 = arith.constant 0 : index
    %swap3A_51 = vector.load %arg7[%swap3A, %swap3A_50] : memref<800x1024xi32, #tpu.memory_space<vmem>>, vector<800x1024xi32>
    tpu.vector_store %arg7[%swap3A, %swap3A_50], %add3A_49 {strides = array<i32>} : memref<800x1024xi32, #tpu.memory_space<vmem>>, vector<800x1024xi32>,
    %get3A_52 = arith.constant 0 : index
    %get3A_53 = arith.constant 0 : index
    %get3A_54 = vector.load %arg1[%get3A_52, %get3A_53] : memref<100x16xf32, #tpu.memory_space<vmem>>, vector<12x16xf32>
    %get3A_55 = arith.constant 0 : index
    %get3A_56 = arith.constant 0 : index
    %get3A_57 = vector.load %arg5[%get3A_55, %get3A_56] : memref<64x128xf32, #tpu.memory_space<vmem>>, vector<16x128xf32>
    %dot_general3A = arith.constant dense<0.000000e+00> : vector<12x128xf32>
    %dot_general3A_58 = tpu.matmul %get3A_54, %get3A_57, %dot_general3A {dimension_numbers = #tpu.dot_dimension_numbers<[1], [0], [0], [1], [0, 0, 1, 1], [], []>, precision = #tpu.contract_precision<fp32>, transpose_lhs_hint = false} : vector<12x16xf32>, vector<16x128xf32>, vector<12x128xf32> -> vector<12x128xf32>
    %get3A_59 = arith.constant 0 : index
    %get3A_60 = arith.constant 0 : index
    %get3A_61 = vector.load %arg2[%get3A_59, %get3A_60] : memref<12x16xf32, #tpu.memory_space<vmem>>, vector<12x16xf32>
    %get3A_62 = arith.constant 16 : index
    %get3A_63 = arith.constant 0 : index
    %get3A_64 = vector.load %arg5[%get3A_62, %get3A_63] : memref<64x128xf32, #tpu.memory_space<vmem>>, vector<16x128xf32>
    %dot_general3A_65 = arith.constant dense<0.000000e+00> : vector<12x128xf32>
    %dot_general3A_66 = tpu.matmul %get3A_61, %get3A_64, %dot_general3A_65 {dimension_numbers = #tpu.dot_dimension_numbers<[1], [0], [0], [1], [0, 0, 1, 1], [], []>, precision = #tpu.contract_precision<fp32>, transpose_lhs_hint = false} : vector<12x16xf32>, vector<16x128xf32>, vector<12x128xf32> -> vector<12x128xf32>
    %get3A_67 = arith.constant 0 : index
    %get3A_68 = arith.constant 0 : index
    %get3A_69 = vector.load %arg3[%get3A_67, %get3A_68] : memref<31x16xf32, #tpu.memory_space<vmem>>, vector<12x16xf32>
    %get3A_70 = arith.constant 32 : index
    %get3A_71 = arith.constant 0 : index
    %get3A_72 = vector.load %arg5[%get3A_70, %get3A_71] : memref<64x128xf32, #tpu.memory_space<vmem>>, vector<16x128xf32>
    %dot_general3A_73 = arith.constant dense<0.000000e+00> : vector<12x128xf32>
    %dot_general3A_74 = tpu.matmul %get3A_69, %get3A_72, %dot_general3A_73 {dimension_numbers = #tpu.dot_dimension_numbers<[1], [0], [0], [1], [0, 0, 1, 1], [], []>, precision = #tpu.contract_precision<fp32>, transpose_lhs_hint = false} : vector<12x16xf32>, vector<16x128xf32>, vector<12x128xf32> -> vector<12x128xf32>
    %get3A_75 = arith.constant 0 : index
    %get3A_76 = arith.constant 0 : index
    %get3A_77 = vector.load %arg4[%get3A_75, %get3A_76] : memref<24x16xf32, #tpu.memory_space<vmem>>, vector<12x16xf32>
    %get3A_78 = arith.constant 48 : index
    %get3A_79 = arith.constant 0 : index
    %get3A_80 = vector.load %arg5[%get3A_78, %get3A_79] : memref<64x128xf32, #tpu.memory_space<vmem>>, vector<16x128xf32>
    %dot_general3A_81 = arith.constant dense<0.000000e+00> : vector<12x128xf32>
    %dot_general3A_82 = tpu.matmul %get3A_77, %get3A_80, %dot_general3A_81 {dimension_numbers = #tpu.dot_dimension_numbers<[1], [0], [0], [1], [0, 0, 1, 1], [], []>, precision = #tpu.contract_precision<fp32>, transpose_lhs_hint = false} : vector<12x16xf32>, vector<16x128xf32>, vector<12x128xf32> -> vector<12x128xf32>
    %broadcast_in_dim3A = vector.shape_cast %dot_general3A_58 : vector<12x128xf32> to vector<12x1x128xf32>
    %broadcast_in_dim3A_83 = vector.shape_cast %dot_general3A_66 : vector<12x128xf32> to vector<1x12x128xf32>
    %add3A_84 = vector.broadcast %broadcast_in_dim3A : vector<12x1x128xf32> to vector<12x12x128xf32>
    %add3A_85 = vector.broadcast %broadcast_in_dim3A_83 : vector<1x12x128xf32> to vector<12x12x128xf32>
    %add3A_86 = arith.addf %add3A_84, %add3A_85 : vector<12x12x128xf32>
    %reshape3A = vector.shape_cast %add3A_86 : vector<12x12x128xf32> to vector<144x128xf32>
    %broadcast_in_dim3A_87 = vector.shape_cast %dot_general3A_74 : vector<12x128xf32> to vector<12x1x128xf32>
    %broadcast_in_dim3A_88 = vector.shape_cast %dot_general3A_82 : vector<12x128xf32> to vector<1x12x128xf32>
    %add3A_89 = vector.broadcast %broadcast_in_dim3A_87 : vector<12x1x128xf32> to vector<12x12x128xf32>
    %add3A_90 = vector.broadcast %broadcast_in_dim3A_88 : vector<1x12x128xf32> to vector<12x12x128xf32>
    %add3A_91 = arith.addf %add3A_89, %add3A_90 : vector<12x12x128xf32>
    %reshape3A_92 = vector.shape_cast %add3A_91 : vector<12x12x128xf32> to vector<144x128xf32>
    %get3A_93 = arith.constant 0 : index
    %get3A_94 = arith.constant 0 : index
    %get3A_95 = vector.load %arg6[%get3A_93, %get3A_94] : memref<1x128xf32, #tpu.memory_space<vmem>>, vector<1x128xf32>
    %add3A_96 = vector.broadcast %get3A_95 : vector<1x128xf32> to vector<144x128xf32>
    %add3A_97 = arith.addf %reshape3A_92, %add3A_96 : vector<144x128xf32>
    %broadcast_in_dim3A_98 = vector.shape_cast %reshape3A : vector<144x128xf32> to vector<144x1x128xf32>
    %broadcast_in_dim3A_99 = vector.shape_cast %add3A_97 : vector<144x128xf32> to vector<1x144x128xf32>
    %add3A_100 = vector.broadcast %broadcast_in_dim3A_98 : vector<144x1x128xf32> to vector<144x144x128xf32>
    %add3A_101 = vector.broadcast %broadcast_in_dim3A_99 : vector<1x144x128xf32> to vector<144x144x128xf32>
    %add3A_102 = arith.addf %add3A_100, %add3A_101 : vector<144x144x128xf32>
    %reshape3A_103 = vector.shape_cast %add3A_102 : vector<144x144x128xf32> to vector<20736x128xf32>
    %swap3A_104 = arith.constant 0 : index
    %swap3A_105 = arith.constant 0 : index
    %swap3A_106 = vector.load %arg8[%swap3A_104, %swap3A_105] : memref<20736x128xf32, #tpu.memory_space<vmem>>, vector<20736x128xf32>
    tpu.vector_store %arg8[%swap3A_104, %swap3A_105], %reshape3A_103 {strides = array<i32>} : memref<20736x128xf32, #tpu.memory_space<vmem>>, vector<20736x128xf32>,
    return
  }
}

</mosaic_0001>

<sc_bundles>
// kernel: kernel.4.cloned.1.call-start
scs
__scs_entry_jumppad:
0x0: {  	(pc) =	sbr.rel $0x88, $3  }
0x1: {  	(tag) =	ssettag $0x0;
	lr =	simm.s32 $0x1  }
0x2: {  	[smem:$0x3F9A] =	sst lr;
	_ =	strace $0xD0000000  }
0x3: {  	_ = 	snop  }
0x4: {  	_ = 	snop  }
0x5: {  	_ = 	snop  }
0x6: {  	_ = 	snop  }
0x7: {  	_ = 	snop  }
__scs_overlays_trampoline_lowered:
0x8: {  	[smem:$0x3FA9] =	sst s0  }
0x9: {  	[smem:$0x3FAA] =	sst s1  }
0xa: {  	[smem:$0x3FAB] =	sst s2  }
0xb: {  	[smem:$0x3FAC] =	sst s3  }
0xc: {  	[smem:$0x3FAD] =	sst s4  }
0xd: {  	[smem:$0x3FAE] =	sst s5  }
0xe: {  	[smem:$0x3FAF] =	sst s6  }
0xf: {  	[smem:$0x3FB0] =	sst s7  }
0x10: {  	[smem:$0x3FB1] =	sst s8  }
0x11: {  	[smem:$0x3FB2] =	sst s9;
	s0 =	simm.s32 @!p0 $0x0  }
0x12: {  	s1 =	sld [smem:$0x3F98];
	s0 =	simm.s32 @p0 $0x1  }
0x13: {  	[smem:$0x3FB3] =	sst s0;
	s0 =	simm.s32 @!p1 $0x0  }
0x14: {  	s2 =	sld [smem:$0x3F97];
	s0 =	simm.s32 @p1 $0x1  }
0x15: {  	[smem:$0x3FB4] =	sst s0;
	s0 =	simm.s32 @!p2 $0x0  }
0x16: {  	s3 =	sld [smem:$0x3FDB];
	s0 =	simm.s32 @p2 $0x1  }
0x17: {  	s4 =	simm.s32 $0x1BF5;
	[smem:$0x3FB6] =	sst s0  }
0x18: {  	s0 =	sld [smem:$0x3F99];
	_ =	swait.ge [sflag:s4], $0x0  }
0x19: {  	s7 =	sld [smem:$0x3F9A]  }
0x1a: {  	s8 =	sadd.s32 $0xFFFFE003, lr  }
0x1b: {  	s9 =	sadd.s32 $0xFFFFFEF7, lr;
	s5 =	simm.s32 $0xFFFFFFFF;
	p2 =	slt.u32 s8, $0xFFFFF086  }
0x1c: {  	p1 =	slt.u32 s9, $0xF7A;
	s5 =	simm.s32 @!p2 $0x0  }
0x1d: {  	s5 =	simm.s32 @p1 $0x1;
	p0 =	seq.s32 s7, s2  }
0x1e: {  	s7 =	smul.u32 @!p0 $0xF7A, s2;
	p2 =	seq.s32 @!p0 s5, $0x0  }
0x1f: {  	s9 =	smul.u32 $0xF7A, s1;
	s8 =	simm.s32 @!p0 $0x1BF5;
	p2 =	por !p2, p0  }
0x20: {  	[sflag:s8] =	ssyncset.s32 @!p0 $0xFFFFF086;
	s6 =	sadd.s32 @!p0 s3, s7;
	s7 =	simm.s32 @!p0 $0x108  }
0x21: {  	s3 =	sadd.s32 s3, s9;
	s6 =	sadd.s32 @!p0 $0x88, s6;
	s7 =	simm.s32 @p2 $0x1082  }
0x22: {  	[simem:s7], [sflag:s8] =	dma.local @!p0 [hbm:s6], $0xF7A  }
0x23: {  	s9 =	sor.u32 $0xD0000000, s2;
	s6 =	simm.s32 $0x108;
	_ =	swait.ge @!p0 [sflag:s8], $0x0  }
0x24: {  	s3 =	sadd.s32 $0x88, s3;
	s6 =	simm.s32 @!p1 $0x1082;
	[sflag:s4] =	ssyncset.s32 $0xFFFFF086  }
0x25: {  	[simem:s6], [sflag:s4] =	dma.local [hbm:s3], $0xF7A  }
0x26: {  	[smem:$0x3F9A] =	sst s1;
	(tag) =	ssettag s2;
	_ =	strace s9  }
0x27: {  	s1 =	sld [smem:$0x3FAA]  }
0x28: {  	s2 =	sld [smem:$0x3FAB]  }
0x29: {  	s4 =	sld [smem:$0x3FAD]  }
0x2a: {  	p0 =	seq.s32 s5, $0x0;
	s5 =	sld [smem:$0x3FAE]  }
0x2b: {  	s6 =	sld [smem:$0x3FAF]  }
0x2c: {  	s7 =	sld [smem:$0x3FB0]  }
0x2d: {  	s3 =	simm.s32 $0x108;
	s8 =	sld [smem:$0x3FB1]  }
0x2e: {  	s3 =	simm.s32 @!p0 $0x1082;
	s9 =	sld [smem:$0x3FB2]  }
0x2f: {  	lr =	sadd.s32 s0, s3;
	s0 =	sld [smem:$0x3FA9]  }
0x30: {  	s3 =	sld [smem:$0x3FAC]  }
0x31: {  	[smem:$0x3FB5] =	sst s10  }
0x32: {  	s10 =	sld [smem:$0x3FB3];
	_ =	sdelay $0x3  }
0x33: {  	p0 =	seq.s32 s10, $0x1;
	s10 =	sld [smem:$0x3FB5];
	_ =	sdelay $0x3  }
0x34: {  	[smem:$0x3FB5] =	sst s10  }
0x35: {  	s10 =	sld [smem:$0x3FB4];
	_ =	sdelay $0x3  }
0x36: {  	p1 =	seq.s32 s10, $0x1;
	s10 =	sld [smem:$0x3FB5];
	_ =	sdelay $0x3  }
0x37: {  	[smem:$0x3FB5] =	sst s10  }
0x38: {  	s10 =	sld [smem:$0x3FB6]  }
0x39: {  	_ = 	snop;
	(pc) =	sbr.ind lr, $3  }
0x3a: {  	_ = 	snop  }
0x3b: {  	_ = 	snop  }
0x3c: {  	p2 =	seq.s32 s10, $0x1;
	s10 =	sld [smem:$0x3FB5]  }
0x3d: {  	_ =	shalt  }
0x3e: {  	_ =	shalt  }
0x3f: {  	_ =	shalt  }
0x40: {  	_ =	shalt  }
0x41: {  	_ =	shalt  }
0x42: {  	_ =	shalt  }
0x43: {  	_ =	shalt  }
0x44: {  	_ =	shalt  }
0x45: {  	_ =	shalt  }
0x46: {  	_ =	shalt  }
0x47: {  	_ =	shalt  }
0x48: {  	_ =	shalt  }
0x49: {  	_ =	shalt  }
0x4a: {  	_ =	shalt  }
0x4b: {  	_ =	shalt  }
0x4c: {  	_ =	shalt  }
0x4d: {  	_ =	shalt  }
0x4e: {  	_ =	shalt  }
0x4f: {  	_ =	shalt  }
0x50: {  	_ =	shalt  }
0x51: {  	_ =	shalt  }
0x52: {  	_ =	shalt  }
0x53: {  	_ =	shalt  }
0x54: {  	_ =	shalt  }
0x55: {  	_ =	shalt  }
0x56: {  	_ =	shalt  }
0x57: {  	_ =	shalt  }
0x58: {  	_ =	shalt  }
0x59: {  	_ =	shalt  }
0x5a: {  	_ =	shalt  }
0x5b: {  	_ =	shalt  }
0x5c: {  	_ =	shalt  }
0x5d: {  	_ =	shalt  }
0x5e: {  	_ =	shalt  }
0x5f: {  	_ =	shalt  }
0x60: {  	_ =	shalt  }
0x61: {  	_ =	shalt  }
0x62: {  	_ =	shalt  }
0x63: {  	_ =	shalt  }
0x64: {  	_ =	shalt  }
0x65: {  	_ =	shalt  }
0x66: {  	_ =	shalt  }
0x67: {  	_ =	shalt  }
0x68: {  	_ =	shalt  }
0x69: {  	_ =	shalt  }
0x6a: {  	_ =	shalt  }
0x6b: {  	_ =	shalt  }
0x6c: {  	_ =	shalt  }
0x6d: {  	_ =	shalt  }
0x6e: {  	_ =	shalt  }
0x6f: {  	_ =	shalt  }
0x70: {  	_ =	shalt  }
0x71: {  	_ =	shalt  }
0x72: {  	_ =	shalt  }
0x73: {  	_ =	shalt  }
0x74: {  	_ =	shalt  }
0x75: {  	_ =	shalt  }
0x76: {  	_ =	shalt  }
0x77: {  	_ =	shalt  }
0x78: {  	_ =	shalt  }
0x79: {  	_ =	shalt  }
0x7a: {  	_ =	shalt  }
0x7b: {  	_ =	shalt  }
0x7c: {  	_ =	shalt  }
0x7d: {  	_ =	shalt  }
0x7e: {  	_ =	shalt  }
0x7f: {  	_ =	shalt  }
0x80: {  	_ =	shalt  }
0x81: {  	_ =	shalt  }
0x82: {  	_ =	shalt  }
0x83: {  	_ =	shalt  }
0x84: {  	_ =	shalt  }
0x85: {  	_ =	shalt  }
0x86: {  	_ =	shalt  }
0x87: {  	_ =	shalt  }
.Lfunc_end0:
.L_simem_size_0:
called_computation_lowered:
.L_overlay_start_0:
0x88: {  	s2 =	sld [smem:$0x3FD9]  }
0x89: {  	s3 =	sld [smem:$0x3FFE];
	_ =	sdelay $0x1  }
0x8a: {  	s1 =	srdreg.scid  }
0x8b: {  	s0 =	sand.u32 $0x1, s1  }
0x8c: {  	s17 =	sshll.u32 s0, $0xA;
	s2 =	sadd.s32 s3, s2  }
0x8d: {  	s2 =	sadd.s32 s2, s17  }
0x8e: {  	[smem:$0x3FC1] =	sst s2  }
0x8f: {  	_ = 	snop  }
0x90: {  	s2 =	sld [smem:$0x3FD0];
	(tm) =	ssettm $0x1  }
0x91: {  	s18 =	sld [smem:$0x3FFB];
	_ =	sdelay $0x3  }
0x92: {  	_ =	strace s18  }
0x93: {  	s3 =	sld [smem:$0x3FFC];
	_ =	sdelay $0x3  }
0x94: {  	_ =	strace s3  }
0x95: {  	s3 =	sld [smem:$0x3FFD];
	_ =	sdelay $0x3  }
0x96: {  	_ =	strace s3  }
0x97: {  	_ =	strace $0x8FFFFFFF  }
0x98: {  	s19 =	sld [smem:$0x3FDB];
	_ =	sdelay $0x1  }
0x99: {  	s4 =	simm.s32 $_scs_section_size  }
0x9a: {  	s5 =	simm.s32 $_size__tile_overlayer_lowered;
	s6 =	simm.s32 $_tile_overlayer_lowered  }
0x9b: {  	s22 =	simm.s32 $0x1BFF;
	s21 =	sshll.u32 s6, $0x1;
	s3 =	sadd.s32 s4, s19  }
0x9c: {  	s7 =	simm.s32 $0x0;
	s20 =	sshll.u32 s5, $0x1;
	s5 =	sadd.s32 s21, s3  }
0x9d: {  	[timem:s7], [sflag:s22] =	dma.local [hbm:s5], s20  }
0x9e: {  	_ =	swait.ge [sflag:s22], s20  }
0x9f: {  	s4 =	ssub.s32 $0x0, s20;
	[sflag:s22] =	ssyncset.done $0x0  }
0xa0: {  	[sflag:s22] =	ssyncadd.s32 s4;
	_ =	sdelay $0x1  }
0xa1: {  	s23 =	simm.s32 $0x1B8B  }
0xa2: {  	_ =	swait.ge [sflag:s23], $0x1  }
0xa3: {  	[sflag:s23] =	ssyncset.done $0x0  }
0xa4: {  	s25 =	simm.s32 $0x1B8E;
	s24 =	sld [smem:$0x3FFE];
	[sflag:s23] =	ssyncadd.s32 $0xFFFFFFFF  }
0xa5: {  	s26 =	simm.s32 $execute0_lowered;
	[smem:$0x3FD2] =	sst s25  }
0xa6: {  	s5 =	sshll.u32 s26, $0x1;
	_ =	strace $0x80000046;
	[dreg:$0x1] =	wrdreg $0xFFFFFFFF  }
0xa7: {  	s28 =	simm.s32 $_size_execute0_lowered;
	s3 =	sadd.s32 s3, s5;
	[dreg:$0x0] =	wrdreg $0x0  }
0xa8: {  	s5 =	sshll.u32 s28, $0x1;
	[dreg:$0x2] =	wrdreg s3  }
0xa9: {  	[dreg:$0x3] =	wrdreg s5  }
0xaa: {  	[dreg:$0x4] =	wrdreg $0xC0  }
0xab: {  	_ =	task [dreg:s7], $0x5FFFF  }
0xac: {  	[dreg:$0x1] =	wrdreg $0xFFFFFFFF  }
0xad: {  	[dreg:$0x0] =	wrdreg $0x60  }
0xae: {  	[dreg:$0x2] =	wrdreg s24  }
0xaf: {  	[dreg:$0x3] =	wrdreg s2  }
0xb0: {  	[dreg:$0x4] =	wrdreg $0x9  }
0xb1: {  	_ =	task.clear_ibuf [dreg:s7], $0x5FFFF;
	_ =	strace $0x90000046  }
0xb2: {  	s29 =	simm.s32 $0x9;
	_ =	strace $0x80000048  }
0xb3: {  	_ =	swait.ge [sflag:s29], $0x1  }
0xb4: {  	[sflag:s29] =	ssyncadd.s32 $0xFFFFFFFF  }
0xb5: {  	_ =	strace $0x90000048  }
0xb6: {  	_ =	sfence  }
0xb7: {  	s30 =	sld [smem:$0x0];
	_ =	sdelay $0x2  }
0xb8: {  	s31 =	sshll.u32 s1, $0xD;
	s1 =	sshrl.u32 s1, $0x2  }
0xb9: {  	s3 =	sand.u32 $0x4000, s31;
	s1 =	sadd.s32 s1, s30  }
0xba: {  	s0 =	sor.u32 s3, s0;
	s1 =	sshll.u32 s1, $0x11  }
0xbb: {  	s0 =	sor.u32 s1, s0  }
0xbc: {  	s0 =	sadd.s32 $0x8F2B, s0  }
0xbd: {  	[sflag:s0] =	ssyncadd.remote.s32 $0x1  }
0xbe: {  	_ =	sfence.sel $0xFFFF  }
0xbf: {  	[dreg:$0x0] =	wrdreg $0xFFFFFFFF;
	(pc) =	sbr.abs _section_cstart, $3  }
0xc0: {  	[dreg:$0x1] =	wrdreg $0xFFFFFFFF  }
0xc1: {  	_ =	task.clear_ibuf [dreg:s7], $0x2FFFF;
	_ =	strace $0x9FFFFFFF  }
0xc2: {  	(tm) =	ssettm $0x7FFFFFFF  }
0xc3: {  	_ =	shalt  }
tec
execute0_lowered:
.L_overlay_start_1:
0x0: {  	(tag) =	ssettag $0x1  }
0x1: {  	s1 =	rddreg [dreg:$0x0];
	s2 =	srdreg.scid  }
0x2: {  	s0 =	stileid.u32;
	s11 =	rddreg [dreg:$0x1];
	s14 =	simm.s32 $0x6400  }
0x3: {  	s15 =	simm.s32 $0xA400;
	s17 =	simm.s32 $0xE400;
	s18 =	simm.s32 $0x180  }
0x4: {  	s19 =	simm.s32 $0x12400;
	s20 =	simm.s32 $0x1;
	s21 =	simm.s32 $0x2  }
0x5: {  	s22 =	simm.s32 $0x3;
	s23 =	simm.s32 $0x4;
	s8 =	smul.u32 $0x640000, s0  }
0x6: {  	s28 =	simm.s32 $0x8;
	s9 =	sand.u32 $0x1, s2;
	s26 =	smul.u32 $0xC8000, s0  }
0x7: {  	s29 =	simm.s32 $0x0;
	s3 =	sshll.u32 s0, $0x1;
	s13 =	smul.u32 $0x320000, s9  }
0x8: {  	s2 =	simm.s32 $0x0;
	s3 =	sor.u32 s9, s3;
	s30 =	smul.u32 $0x64000, s9  }
0x9: {  	[smem:$0x7FF] =	sst s2;
	s24 =	ssub.s32 $0x2, s9;
	s4 =	smul.u32 $0xC80, s3  }
0xa: {  	_ =	strace $0x80000047;
	s5 =	smul.u32 $0x320000, s3;
	s3 =	sadd.s32 $0xE00, s1  }
0xb: {  	s6 =	sshrl.u32 s24, $0x1;
	s31 =	sadd.s32 s26, s11;
	s26 =	simm.s32 $0x7  }
0xc: {  	s10 =	ssub.s32 s24, s6;
	s25 =	sadd.s32 s13, s8;
	s13 =	simm.s32 $0x80  }
0xd: {  	s24 =	simm.s32 $0x5;
	s1 =	sadd.s32 s4, s1;
	s5 =	sshrl.u32 s5, $0x3  }
0xe: {  	s9 =	smax.u32 s10, $0x1;
	s12 =	sadd.s32 s11, s5;
	s4 =	sadd.s32 $0x51E00, s1  }
0xf: {  	s1 =	sshrl.u32 s25, $0x3;
	s25 =	simm.s32 $0x6;
	s5 =	sadd.s32 $0x62000, s12  }
0x10: {  	s6 =	sadd.s32 $0x62800, s12;
	s7 =	sadd.s32 $0x63000, s12;
	s8 =	sadd.s32 $0x63800, s12  }
0x11: {  	s10 =	sadd.s32 s1, s11;
	s11 =	sadd.s32 s30, s31;
	s12 =	simm.s32 $0x9  }
.LBB2_1:
0x12: {  	[tilespmem:s2], [sflag:$0x9] =	stream.linear.gather [hbm4b:s4+s2], $0x6400, $0x38;
	[tilespmem:$0x16400] =	vst v63  }
0x13: {  	_ =	swait.ge [sflag:s12], $0x6400  }
0x14: {  	[sflag:s12] =	ssyncset.done $0x0  }
0x15: {  	[sflag:s12] =	ssyncadd.s32 $0xFFFF9C00  }
0x16: {  	[tilespmem:s14], [sflag:$0x1] =	stream.indirect.gather [hbm4b:s3+s13], $0x80, s2, s13, $0xb8;
	[tilespmem:$0x16400] =	vst v63  }
0x17: {  	_ = 	snop  }
0x18: {  	[tilespmem:s15], [sflag:$0x2] =	stream.indirect.gather [hbm4b:s3+s13], $0x80, s13, s13, $0xb8;
	[tilespmem:$0x16400] =	vst v63  }
0x19: {  	s0 =	simm.s32 $0x100  }
0x1a: {  	[tilespmem:s17], [sflag:$0x3] =	stream.indirect.gather [hbm4b:s3+s13], $0x80, s0, s13, $0xb8;
	[tilespmem:$0x16400] =	vst v63  }
0x1b: {  	_ = 	snop  }
0x1c: {  	[tilespmem:s19], [sflag:$0x4] =	stream.indirect.gather [hbm4b:s3+s13], $0x80, s18, s13, $0xb8;
	[tilespmem:$0x16400] =	vst v63  }
0x1d: {  	_ =	swait.ge [sflag:s20], $0x4000  }
0x1e: {  	[sflag:s20] =	ssyncset.done $0x0  }
0x1f: {  	s1 =	sadd.s32 $0x0, s10;
	[sflag:s20] =	ssyncadd.s32 $0xFFFFC000  }
0x20: {  	[hbm4b:s1+s2] =	stream.linear.scatter [tilespmem:s14], [sflag:$0x5], $0x4000, $0x38;
	[tilespmem:$0x16400] =	vst v63  }
0x21: {  	_ =	swait.ge [sflag:s21], $0x4000  }
0x22: {  	s0 =	sadd.s32 $0x0, s11;
	[sflag:s21] =	ssyncset.done $0x0  }
0x23: {  	s30 =	sadd.s32 $0x800, s0;
	[sflag:s21] =	ssyncadd.s32 $0xFFFFC000  }
0x24: {  	[hbm4b:s30+s2] =	stream.linear.scatter [tilespmem:s15], [sflag:$0x6], $0x4000, $0x38;
	[tilespmem:$0x16400] =	vst v63  }
0x25: {  	_ =	swait.ge [sflag:s22], $0x4000  }
0x26: {  	[sflag:s22] =	ssyncset.done $0x0  }
0x27: {  	s30 =	sadd.s32 $0x1000, s0;
	[sflag:s22] =	ssyncadd.s32 $0xFFFFC000  }
0x28: {  	[hbm4b:s30+s2] =	stream.linear.scatter [tilespmem:s17], [sflag:$0x7], $0x4000, $0x38;
	[tilespmem:$0x16400] =	vst v63  }
0x29: {  	_ =	swait.ge [sflag:s23], $0x4000  }
0x2a: {  	[sflag:s23] =	ssyncset.done $0x0  }
0x2b: {  	s1 =	sadd.s32 $0x1800, s0;
	[sflag:s23] =	ssyncadd.s32 $0xFFFFC000  }
0x2c: {  	[hbm4b:s1+s2] =	stream.linear.scatter [tilespmem:s19], [sflag:$0x8], $0x4000, $0x38;
	[tilespmem:$0x16400] =	vst v63  }
0x2d: {  	_ =	swait.ge [sflag:s24], $0x4000  }
0x2e: {  	[sflag:s24] =	ssyncset.done $0x0  }
0x2f: {  	s16 =	simm.s32 $0x200;
	[sflag:s24] =	ssyncadd.s32 $0xFFFFC000  }
0x30: {  	[tilespmem:s14], [sflag:$0x1] =	stream.indirect.gather [hbm4b:s3+s13], $0x80, s16, s13, $0xb8;
	[tilespmem:$0x16400] =	vst v63  }
0x31: {  	_ =	swait.ge [sflag:s25], $0x4000  }
0x32: {  	[sflag:s25] =	ssyncset.done $0x0  }
0x33: {  	s0 =	simm.s32 $0x280;
	[sflag:s25] =	ssyncadd.s32 $0xFFFFC000  }
0x34: {  	[tilespmem:s15], [sflag:$0x2] =	stream.indirect.gather [hbm4b:s3+s13], $0x80, s0, s13, $0xb8;
	[tilespmem:$0x16400] =	vst v63  }
0x35: {  	_ =	swait.ge [sflag:s26], $0x4000  }
0x36: {  	[sflag:s26] =	ssyncset.done $0x0  }
0x37: {  	s16 =	simm.s32 $0x300;
	[sflag:s26] =	ssyncadd.s32 $0xFFFFC000  }
0x38: {  	[tilespmem:s17], [sflag:$0x3] =	stream.indirect.gather [hbm4b:s3+s13], $0x80, s16, s13, $0xb8;
	[tilespmem:$0x16400] =	vst v63  }
0x39: {  	_ =	swait.ge [sflag:s28], $0x4000  }
0x3a: {  	s31 =	simm.s32 $0x2000;
	[sflag:s28] =	ssyncset.done $0x0  }
0x3b: {  	s30 =	simm.s32 $0x380;
	s1 =	simm.s32 $0x580;
	[sflag:s28] =	ssyncadd.s32 $0xFFFFC000  }
.LBB2_2:
0x3c: {  	[tilespmem:s19], [sflag:$0x4] =	stream.indirect.gather [hbm4b:s3+s13], $0x80, s30, s13, $0xb8;
	[tilespmem:$0x16400] =	vst v63  }
0x3d: {  	s0 =	smov.u32 s31;
	s30 =	smov.u32 s1  }
0x3e: {  	p0 =	sne.s32 s31, $0x60000;
	s31 =	sadd.s32 $0x2000, s31;
	_ =	swait.ge [sflag:s20], $0x4000  }
0x3f: {  	[sflag:s20] =	ssyncset.done $0x0  }
0x40: {  	s16 =	sadd.s32 s0, s10;
	[sflag:s20] =	ssyncadd.s32 $0xFFFFC000  }
0x41: {  	[hbm4b:s16+s2] =	stream.linear.scatter [tilespmem:s14], [sflag:$0x5], $0x4000, $0x38;
	[tilespmem:$0x16400] =	vst v63  }
0x42: {  	_ =	swait.ge [sflag:s21], $0x4000  }
0x43: {  	s0 =	sadd.s32 s0, s11;
	[sflag:s21] =	ssyncset.done $0x0  }
0x44: {  	s16 =	sadd.s32 $0x800, s0;
	[sflag:s21] =	ssyncadd.s32 $0xFFFFC000  }
0x45: {  	[hbm4b:s16+s2] =	stream.linear.scatter [tilespmem:s15], [sflag:$0x6], $0x4000, $0x38;
	[tilespmem:$0x16400] =	vst v63  }
0x46: {  	_ =	swait.ge [sflag:s22], $0x4000  }
0x47: {  	[sflag:s22] =	ssyncset.done $0x0  }
0x48: {  	s16 =	sadd.s32 $0x1000, s0;
	[sflag:s22] =	ssyncadd.s32 $0xFFFFC000  }
0x49: {  	[hbm4b:s16+s2] =	stream.linear.scatter [tilespmem:s17], [sflag:$0x7], $0x4000, $0x38;
	[tilespmem:$0x16400] =	vst v63  }
0x4a: {  	_ =	swait.ge [sflag:s23], $0x4000  }
0x4b: {  	[sflag:s23] =	ssyncset.done $0x0  }
0x4c: {  	s0 =	sadd.s32 $0x1800, s0;
	[sflag:s23] =	ssyncadd.s32 $0xFFFFC000  }
0x4d: {  	[hbm4b:s0+s2] =	stream.linear.scatter [tilespmem:s19], [sflag:$0x8], $0x4000, $0x38;
	[tilespmem:$0x16400] =	vst v63  }
0x4e: {  	_ =	swait.ge [sflag:s24], $0x4000  }
0x4f: {  	[sflag:s24] =	ssyncset.done $0x0  }
0x50: {  	s0 =	sadd.s32 $0xFFFFFE80, s1;
	[sflag:s24] =	ssyncadd.s32 $0xFFFFC000  }
0x51: {  	[tilespmem:s14], [sflag:$0x1] =	stream.indirect.gather [hbm4b:s3+s13], $0x80, s0, s13, $0xb8;
	[tilespmem:$0x16400] =	vst v63  }
0x52: {  	_ =	swait.ge [sflag:s25], $0x4000  }
0x53: {  	[sflag:s25] =	ssyncset.done $0x0  }
0x54: {  	s0 =	sadd.s32 $0xFFFFFF00, s1;
	[sflag:s25] =	ssyncadd.s32 $0xFFFFC000  }
0x55: {  	[tilespmem:s15], [sflag:$0x2] =	stream.indirect.gather [hbm4b:s3+s13], $0x80, s0, s13, $0xb8;
	[tilespmem:$0x16400] =	vst v63  }
0x56: {  	_ =	swait.ge [sflag:s26], $0x4000  }
0x57: {  	[sflag:s26] =	ssyncset.done $0x0  }
.Ltmp0:
0x58: {  	s0 =	sadd.s32 $0xFFFFFF80, s1;
	[sflag:s26] =	ssyncadd.s32 $0xFFFFC000;
	(pc) =	sbr.rel @p0 .LBB2_2-.Ltmp0, $4  }
0x59: {  	[tilespmem:s17], [sflag:$0x3] =	stream.indirect.gather [hbm4b:s3+s13], $0x80, s0, s13, $0xb8;
	[tilespmem:$0x16400] =	vst v63  }
0x5a: {  	_ =	swait.ge [sflag:s28], $0x4000  }
0x5b: {  	[sflag:s28] =	ssyncset.done $0x0  }
0x5c: {  	s1 =	sadd.s32 $0x200, s1;
	[sflag:s28] =	ssyncadd.s32 $0xFFFFC000  }
0x5d: {  	[tilespmem:s19], [sflag:$0x4] =	stream.indirect.gather [hbm4b:s3+s13], $0x80, s30, s13, $0xb8;
	[tilespmem:$0x16400] =	vst v63  }
0x5e: {  	_ =	swait.ge [sflag:s20], $0x4000  }
0x5f: {  	[sflag:s20] =	ssyncset.done $0x0  }
0x60: {  	[sflag:s20] =	ssyncadd.s32 $0xFFFFC000  }
0x61: {  	[hbm4b:s5+s2] =	stream.linear.scatter [tilespmem:s14], [sflag:$0x5], $0x4000, $0x38;
	[tilespmem:$0x16400] =	vst v63  }
0x62: {  	_ =	swait.ge [sflag:s21], $0x4000  }
0x63: {  	[sflag:s21] =	ssyncset.done $0x0  }
0x64: {  	[sflag:s21] =	ssyncadd.s32 $0xFFFFC000  }
0x65: {  	[hbm4b:s6+s2] =	stream.linear.scatter [tilespmem:s15], [sflag:$0x6], $0x4000, $0x38;
	[tilespmem:$0x16400] =	vst v63  }
0x66: {  	_ =	swait.ge [sflag:s22], $0x4000  }
0x67: {  	[sflag:s22] =	ssyncset.done $0x0  }
0x68: {  	[sflag:s22] =	ssyncadd.s32 $0xFFFFC000  }
0x69: {  	[hbm4b:s7+s2] =	stream.linear.scatter [tilespmem:s17], [sflag:$0x7], $0x4000, $0x38;
	[tilespmem:$0x16400] =	vst v63  }
0x6a: {  	_ =	swait.ge [sflag:s23], $0x4000  }
0x6b: {  	[sflag:s23] =	ssyncset.done $0x0  }
0x6c: {  	[sflag:s23] =	ssyncadd.s32 $0xFFFFC000  }
0x6d: {  	[hbm4b:s8+s2] =	stream.linear.scatter [tilespmem:s19], [sflag:$0x8], $0x4000, $0x38;
	[tilespmem:$0x16400] =	vst v63  }
0x6e: {  	_ =	swait.ge [sflag:s24], $0x4000  }
0x6f: {  	[sflag:s24] =	ssyncset.done $0x0  }
0x70: {  	[sflag:s24] =	ssyncadd.s32 $0xFFFFC000  }
0x71: {  	_ =	swait.ge [sflag:s25], $0x4000  }
0x72: {  	[sflag:s25] =	ssyncset.done $0x0  }
0x73: {  	s29 =	sadd.s32 $0x1, s29;
	[sflag:s25] =	ssyncadd.s32 $0xFFFFC000  }
0x74: {  	p0 =	sne.s32 s29, s9;
	_ =	swait.ge [sflag:s26], $0x4000  }
.Ltmp1:
0x75: {  	[sflag:s26] =	ssyncset.done $0x0;
	(pc) =	sbr.rel @p0 .LBB2_1-.Ltmp1, $4  }
0x76: {  	[sflag:s26] =	ssyncadd.s32 $0xFFFFC000  }
0x77: {  	_ =	swait.ge [sflag:s28], $0x4000  }
0x78: {  	[sflag:s28] =	ssyncset.done $0x0  }
0x79: {  	[sflag:s28] =	ssyncadd.s32 $0xFFFFC000  }
0x7a: {  	_ =	sfence.sel $0x180000  }
0x7b: {  	[bflag:$0x0] =	sbarrier.arrive $0xFFFF  }
0x7c: {  	_ =	strace $0x90000047  }
0x7d: {  	s0 =	stileid.u32;
	[bflag:$0x2] =	sbarrier.arrive $0xFFFF  }
0x7e: {  	p0 =	sne.s32 s0, $0x0;
	s0 =	rddreg [dreg:$0x2]  }
0x7f: {  	s0 =	sadd.s32 @!p0 $0x100000, s0  }
0x80: {  	[sflag:s0] =	ssyncadd.tile.s32 @!p0 $0x1;
	_ =	shalt  }
.Lfunc_end2:
_tile_overlayer_lowered:
.L_overlay_start_2:
0x81: {  	(tag) =	ssettag $0x2  }
0x82: {  	s0 =	rddreg [dreg:$0x0];
	s2 =	stileid.u32  }
0x83: {  	s1 =	rddreg [dreg:$0x1];
	p0 =	sne.s32 s2, $0x0  }
0x84: {  	s3 =	rddreg [dreg:$0x2];
	[bflag:$0x3] =	sbarrier.arrive $0xFFFF;
	s2 =	simm.s32 @!p0 $0x1C09  }
0x85: {  	[timem:s3], [sflag:s2] =	dma.local @!p0 [hbm:s0], s1  }
0x86: {  	s0 =	simm.s32 @!p0 $0x9  }
0x87: {  	_ =	swait.ge @!p0 [sflag:s0], s1  }
0x88: {  	s1 =	ssub.s32 @!p0 $0x0, s1;
	[sflag:s0] =	ssyncset.done @!p0 $0x0  }
0x89: {  	[sflag:s0] =	ssyncadd.s32 @!p0 s1  }
0x8a: {  	[bflag:$0x3] =	sbarrier.arrive $0xFFFF  }
0x8b: {  	_ =	shalt  }

</sc_bundles>
